<compile_context>
chip_gen: v7x
topology: tpu7x:2x2x1
jax: 0.10.2.dev20260603
libtpu: 0.0.44.dev20260713+nightly
codegen_flags: <defaults>
</compile_context>

<pallas_src>
import functools

import jax
import jax.numpy as jnp
from jax import lax
from jax.experimental import pallas as pl
from jax.experimental.pallas import tpu as pltpu
from jax.experimental.pallas import tpu_sc as plsc

_V = 8192
_D = 8192
_NB = 8192
_NC = 2
_NS = 16
_NW = _NC * _NS
_BPW = _NB // _NW
_K = 4
_NCHUNK = _BPW // _K


@functools.partial(
    pl.kernel,
    out_type=jax.ShapeDtypeStruct((_NB, _D), jnp.float32),
    mesh=plsc.VectorSubcoreMesh(core_axis_name="c", subcore_axis_name="s"),
    scratch_types=[
        pltpu.VMEM((_NCHUNK, _K), jnp.int32),
        pltpu.VMEM((_K, _D), jnp.float32),
        pltpu.VMEM((_K, _D), jnp.float32),
        pltpu.SemaphoreType.DMA,
        pltpu.SemaphoreType.DMA,
        pltpu.SemaphoreType.DMA,
        pltpu.SemaphoreType.DMA,
    ],
)
def _gather_rows(x_hbm, table_hbm, out_hbm, idx_v, buf0, buf1, g0, g1, s0, s1):
    sid = lax.axis_index("s")
    wid = sid * _NC + lax.axis_index("c")
    base = wid * _BPW
    pltpu.sync_copy(x_hbm.at[wid], idx_v)

    bufs = (buf0, buf1)
    gsems = (g0, g1)
    ssems = (s0, s1)

    def gather_start(cur, b):
        pltpu.async_copy(table_hbm.at[idx_v.at[cur]], bufs[b], gsems[b])

    def gather_wait(cur, b):
        pltpu.make_async_copy(table_hbm.at[idx_v.at[cur]], bufs[b], gsems[b]).wait()

    def scatter_start(cur, b):
        pltpu.async_copy(
            bufs[b], out_hbm.at[pl.ds(base + cur * _K, _K)], ssems[b]
        )

    def scatter_wait(cur, b):
        pltpu.make_async_copy(
            bufs[b], out_hbm.at[pl.ds(base + cur * _K, _K)], ssems[b]
        ).wait()

    gather_start(0, 0)
    gather_start(1, 1)

    def body(i, carry):
        c = i * 2
        for b in range(2):
            cur = c + b
            gather_wait(cur, b)
            scatter_start(cur, b)
            scatter_wait(cur, b)
            nxt = cur + 2

            @pl.when(nxt < _NCHUNK)
            def _():
                gather_start(nxt, b)

        return carry

    lax.fori_loop(0, _NCHUNK // 2, body, 0)


def kernel(x, table):
    x3 = x.reshape(_NW, _NCHUNK, _K).astype(jnp.int32)
    out = _gather_rows(x3, table)
    return out.reshape(x.shape[0], x.shape[1], _D)

# --- scband reference (transcript-rebuilt; emitter-appended) ---
"""Pipeline reference for scband-bigram-language-model-76605036692060 (READ-ONLY COPY).

The authoritative reference and input builder live on the scoring server;
editing this copy changes nothing except your own understanding.
"""

import jax, jax.numpy as jnp
import numpy as np

VOCAB = 8192
B, S = 4, 2048

def setup_inputs(seed: int = 0) -> dict:
    key = jax.random.key(seed)
    k1, k2 = jax.random.split(key)
    x = jax.random.randint(k1, (B, S), 0, VOCAB, dtype=jnp.int64 if jax.config.jax_enable_x64 else jnp.int32)
    table = jax.random.normal(k2, (VOCAB, VOCAB), dtype=jnp.float32)
    return {"x": x, "table": table}

def reference(x, table):
    # BigramLanguageModel.forward with label=None: logits = Embedding(x)
    logits = jnp.take(table, x, axis=0)  # [B, S, VOCAB]
    return logits

if __name__ == "__main__":
    import jax
    _d = setup_inputs()
    print(jax.jit(kernel)(*tuple(_d.values())))

</pallas_src>

<mosaic_0001>
#map = affine_map<(d0, d1) -> (0, 0, 0)>
#map1 = affine_map<(d0, d1) -> (0, 0)>
module attributes {stable_mosaic.version = 14 : i64} {
  func.func @_gather_rows(%arg0: i32, %arg1: i32, %arg2: memref<32x64x4xi32, #tpu.memory_space<hbm>>, %arg3: memref<8192x8192xf32, #tpu.memory_space<hbm>>, %arg4: memref<8192x8192xf32, #tpu.memory_space<hbm>>, %arg5: memref<64x4xi32, #tpu.memory_space<vmem>>, %arg6: memref<4x8192xf32, #tpu.memory_space<vmem>>, %arg7: memref<4x8192xf32, #tpu.memory_space<vmem>>, %arg8: memref<!tpu.dma_semaphore, #tpu.memory_space<semaphore_mem>>, %arg9: memref<!tpu.dma_semaphore, #tpu.memory_space<semaphore_mem>>, %arg10: memref<!tpu.dma_semaphore, #tpu.memory_space<semaphore_mem>>, %arg11: memref<!tpu.dma_semaphore, #tpu.memory_space<semaphore_mem>>) attributes {dimension_semantics = [#tpu.dimension_semantics<core_parallel>, #tpu.dimension_semantics<subcore_parallel>], iteration_bounds = array<i64: 2, 16>, scalar_prefetch = 0 : i64, scratch_operands = 7 : i64, tpu.core_type = #tpu.core_type<sc_vector_subcore>, window_params = [{transform_indices = #map}, {transform_indices = #map1}, {transform_indices = #map1}]} {
    %mul3A = arith.constant 2 : i32
    %mul3A_0 = arith.muli %arg1, %mul3A : i32
    %add3A = arith.addi %mul3A_0, %arg0 : i32
    %mul3A_1 = arith.constant 256 : i32
    %mul3A_2 = arith.muli %add3A, %mul3A_1 : i32
    "tpu.region"() ({
      %run_scoped3A = tpu.sem_alloc : memref<!tpu.dma_semaphore, #tpu.memory_space<semaphore_mem>>
      %dma_start3A_21 = arith.constant 0 : i32
      %dma_start3A_22 = arith.constant 0 : i32
      %dma_start3A_23 = tpu.memref_slice %arg2[%add3A, %dma_start3A_21, %dma_start3A_22] : memref<32x64x4xi32, #tpu.memory_space<hbm>> -> memref<1x64x4xi32, #tpu.memory_space<hbm>>
      %dma_start3A_24 = tpu.memref_squeeze %dma_start3A_23 : memref<1x64x4xi32, #tpu.memory_space<hbm>> -> memref<64x4xi32, #tpu.memory_space<hbm>>
      %dma_start3A_25 = arith.constant 0 : i32
      %dma_start3A_26 = arith.constant 0 : i32
      %dma_start3A_27 = tpu.memref_slice %arg2[%add3A, %dma_start3A_25, %dma_start3A_26] : memref<32x64x4xi32, #tpu.memory_space<hbm>> -> memref<1x64x4xi32, #tpu.memory_space<hbm>>
      %dma_start3A_28 = tpu.memref_squeeze %dma_start3A_27 : memref<1x64x4xi32, #tpu.memory_space<hbm>> -> memref<64x4xi32, #tpu.memory_space<hbm>>
      tpu.enqueue_dma source(%dma_start3A_28 : memref<64x4xi32, #tpu.memory_space<hbm>>) target(%arg5 : memref<64x4xi32, #tpu.memory_space<vmem>>) target_semaphore(%run_scoped3A : memref<!tpu.dma_semaphore, #tpu.memory_space<semaphore_mem>>)
      %dma_wait3A = arith.constant 0 : i32
      %dma_wait3A_29 = arith.constant 0 : i32
      %dma_wait3A_30 = tpu.memref_slice %arg2[%add3A, %dma_wait3A, %dma_wait3A_29] : memref<32x64x4xi32, #tpu.memory_space<hbm>> -> memref<1x64x4xi32, #tpu.memory_space<hbm>>
      %dma_wait3A_31 = tpu.memref_squeeze %dma_wait3A_30 : memref<1x64x4xi32, #tpu.memory_space<hbm>> -> memref<64x4xi32, #tpu.memory_space<hbm>>
      %dma_wait3A_32 = arith.constant 0 : i32
      %dma_wait3A_33 = arith.constant 0 : i32
      %dma_wait3A_34 = tpu.memref_slice %arg2[%add3A, %dma_wait3A_32, %dma_wait3A_33] : memref<32x64x4xi32, #tpu.memory_space<hbm>> -> memref<1x64x4xi32, #tpu.memory_space<hbm>>
      %dma_wait3A_35 = tpu.memref_squeeze %dma_wait3A_34 : memref<1x64x4xi32, #tpu.memory_space<hbm>> -> memref<64x4xi32, #tpu.memory_space<hbm>>
      tpu.wait_dma2 semaphore(%run_scoped3A : memref<!tpu.dma_semaphore, #tpu.memory_space<semaphore_mem>>) src(%dma_wait3A_35 : memref<64x4xi32, #tpu.memory_space<hbm>>) dst(%arg5 : memref<64x4xi32, #tpu.memory_space<vmem>>)
      tpu.yield
    }) : () -> ()
    %dma_start3A = arith.constant 0 : i32
    %dma_start3A_3 = arith.constant 0 : i32
    %dma_start3A_4 = tpu.memref_slice %arg5[%dma_start3A, %dma_start3A_3] : memref<64x4xi32, #tpu.memory_space<vmem>> -> memref<1x4xi32, #tpu.memory_space<vmem>>
    %dma_start3A_5 = tpu.memref_squeeze %dma_start3A_4 : memref<1x4xi32, #tpu.memory_space<vmem>> -> memref<4xi32, #tpu.memory_space<vmem>>
    %dma_start3A_6 = arith.constant 0 : i32
    %dma_start3A_7 = arith.constant 0 : i32
    %dma_start3A_8 = tpu.memref_slice %arg3[%dma_start3A_6, %dma_start3A_7] : memref<8192x8192xf32, #tpu.memory_space<hbm>> -> memref<8192x8192xf32, #tpu.memory_space<hbm>>
    tpu.enqueue_indirect_dma source(%dma_start3A_8 : memref<8192x8192xf32, #tpu.memory_space<hbm>>) target(%arg6 : memref<4x8192xf32, #tpu.memory_space<vmem>>) offsets(%dma_start3A_5 : memref<4xi32, #tpu.memory_space<vmem>>) semaphore(%arg8 : memref<!tpu.dma_semaphore, #tpu.memory_space<semaphore_mem>>)
    %dma_start3A_9 = arith.constant 1 : i32
    %dma_start3A_10 = arith.constant 0 : i32
    %dma_start3A_11 = tpu.memref_slice %arg5[%dma_start3A_9, %dma_start3A_10] : memref<64x4xi32, #tpu.memory_space<vmem>> -> memref<1x4xi32, #tpu.memory_space<vmem>>
    %dma_start3A_12 = tpu.memref_squeeze %dma_start3A_11 : memref<1x4xi32, #tpu.memory_space<vmem>> -> memref<4xi32, #tpu.memory_space<vmem>>
    %dma_start3A_13 = arith.constant 0 : i32
    %dma_start3A_14 = arith.constant 0 : i32
    %dma_start3A_15 = tpu.memref_slice %arg3[%dma_start3A_13, %dma_start3A_14] : memref<8192x8192xf32, #tpu.memory_space<hbm>> -> memref<8192x8192xf32, #tpu.memory_space<hbm>>
    tpu.enqueue_indirect_dma source(%dma_start3A_15 : memref<8192x8192xf32, #tpu.memory_space<hbm>>) target(%arg7 : memref<4x8192xf32, #tpu.memory_space<vmem>>) offsets(%dma_start3A_12 : memref<4xi32, #tpu.memory_space<vmem>>) semaphore(%arg9 : memref<!tpu.dma_semaphore, #tpu.memory_space<semaphore_mem>>)
    %scan3A = arith.constant 0 : i32
    %scan3A_16 = arith.constant 0 : i32
    %scan3A_17 = arith.constant 32 : i32
    %scan3A_18 = arith.addi %scan3A_16, %scan3A_17 : i32
    %scan3A_19 = arith.constant 1 : i32
    scf.for %scan3A_21 = %scan3A_16 to %scan3A_18 step %scan3A_19  : i32 {
      %mul3A_22 = arith.constant 2 : i32
      %mul3A_23 = arith.muli %scan3A_21, %mul3A_22 : i32
      %add3A_24 = arith.constant 0 : i32
      %add3A_25 = arith.addi %mul3A_23, %add3A_24 : i32
      %dma_wait3A = arith.constant 0 : i32
      %dma_wait3A_26 = tpu.memref_slice %arg5[%add3A_25, %dma_wait3A] : memref<64x4xi32, #tpu.memory_space<vmem>> -> memref<1x4xi32, #tpu.memory_space<vmem>>
      %dma_wait3A_27 = tpu.memref_squeeze %dma_wait3A_26 : memref<1x4xi32, #tpu.memory_space<vmem>> -> memref<4xi32, #tpu.memory_space<vmem>>
      %dma_wait3A_28 = arith.constant 0 : i32
      %dma_wait3A_29 = arith.constant 0 : i32
      %dma_wait3A_30 = tpu.memref_slice %arg3[%dma_wait3A_28, %dma_wait3A_29] : memref<8192x8192xf32, #tpu.memory_space<hbm>> -> memref<8192x8192xf32, #tpu.memory_space<hbm>>
      tpu.wait_indirect_dma semaphore(%arg8 : memref<!tpu.dma_semaphore, #tpu.memory_space<semaphore_mem>>) src(%dma_wait3A_30 : memref<8192x8192xf32, #tpu.memory_space<hbm>>) dst(%arg6 : memref<4x8192xf32, #tpu.memory_space<vmem>>)
      %mul3A_31 = arith.constant 4 : i32
      %mul3A_32 = arith.muli %add3A_25, %mul3A_31 : i32
      %add3A_33 = arith.addi %mul3A_2, %mul3A_32 : i32
      %dma_start3A_34 = arith.constant 0 : i32
      %dma_start3A_35 = tpu.memref_slice %arg4[%add3A_33, %dma_start3A_34] : memref<8192x8192xf32, #tpu.memory_space<hbm>> -> memref<4x8192xf32, #tpu.memory_space<hbm>>
      %dma_start3A_36 = arith.constant 0 : i32
      %dma_start3A_37 = tpu.memref_slice %arg4[%add3A_33, %dma_start3A_36] : memref<8192x8192xf32, #tpu.memory_space<hbm>> -> memref<4x8192xf32, #tpu.memory_space<hbm>>
      tpu.enqueue_dma source(%arg6 : memref<4x8192xf32, #tpu.memory_space<vmem>>) target(%dma_start3A_37 : memref<4x8192xf32, #tpu.memory_space<hbm>>) target_semaphore(%arg10 : memref<!tpu.dma_semaphore, #tpu.memory_space<semaphore_mem>>)
      %mul3A_38 = arith.constant 4 : i32
      %mul3A_39 = arith.muli %add3A_25, %mul3A_38 : i32
      %add3A_40 = arith.addi %mul3A_2, %mul3A_39 : i32
      %dma_wait3A_41 = arith.constant 0 : i32
      %dma_wait3A_42 = tpu.memref_slice %arg4[%add3A_40, %dma_wait3A_41] : memref<8192x8192xf32, #tpu.memory_space<hbm>> -> memref<4x8192xf32, #tpu.memory_space<hbm>>
      %dma_wait3A_43 = arith.constant 0 : i32
      %dma_wait3A_44 = tpu.memref_slice %arg4[%add3A_40, %dma_wait3A_43] : memref<8192x8192xf32, #tpu.memory_space<hbm>> -> memref<4x8192xf32, #tpu.memory_space<hbm>>
      tpu.wait_dma2 semaphore(%arg10 : memref<!tpu.dma_semaphore, #tpu.memory_space<semaphore_mem>>) src(%arg6 : memref<4x8192xf32, #tpu.memory_space<vmem>>) dst(%dma_wait3A_44 : memref<4x8192xf32, #tpu.memory_space<hbm>>)
      %add3A_45 = arith.constant 2 : i32
      %add3A_46 = arith.addi %add3A_25, %add3A_45 : i32
      %lt3A = arith.constant 64 : i32
      %lt3A_47 = arith.cmpi slt, %add3A_46, %lt3A : i32
      %convert_element_type3A = arith.extui %lt3A_47 : i1 to i32
      %cond3A = arith.constant 0 : i32
      %cond3A_48 = arith.cmpi ne, %convert_element_type3A, %cond3A : i32
      scf.if %cond3A_48 {
        %dma_start3A_78 = arith.constant 0 : i32
        %dma_start3A_79 = tpu.memref_slice %arg5[%add3A_46, %dma_start3A_78] : memref<64x4xi32, #tpu.memory_space<vmem>> -> memref<1x4xi32, #tpu.memory_space<vmem>>
        %dma_start3A_80 = tpu.memref_squeeze %dma_start3A_79 : memref<1x4xi32, #tpu.memory_space<vmem>> -> memref<4xi32, #tpu.memory_space<vmem>>
        %dma_start3A_81 = arith.constant 0 : i32
        %dma_start3A_82 = arith.constant 0 : i32
        %dma_start3A_83 = tpu.memref_slice %arg3[%dma_start3A_81, %dma_start3A_82] : memref<8192x8192xf32, #tpu.memory_space<hbm>> -> memref<8192x8192xf32, #tpu.memory_space<hbm>>
        tpu.enqueue_indirect_dma source(%dma_start3A_83 : memref<8192x8192xf32, #tpu.memory_space<hbm>>) target(%arg6 : memref<4x8192xf32, #tpu.memory_space<vmem>>) offsets(%dma_start3A_80 : memref<4xi32, #tpu.memory_space<vmem>>) semaphore(%arg8 : memref<!tpu.dma_semaphore, #tpu.memory_space<semaphore_mem>>)
      } else {
      }
      %add3A_49 = arith.constant 1 : i32
      %add3A_50 = arith.addi %mul3A_23, %add3A_49 : i32
      %dma_wait3A_51 = arith.constant 0 : i32
      %dma_wait3A_52 = tpu.memref_slice %arg5[%add3A_50, %dma_wait3A_51] : memref<64x4xi32, #tpu.memory_space<vmem>> -> memref<1x4xi32, #tpu.memory_space<vmem>>
      %dma_wait3A_53 = tpu.memref_squeeze %dma_wait3A_52 : memref<1x4xi32, #tpu.memory_space<vmem>> -> memref<4xi32, #tpu.memory_space<vmem>>
      %dma_wait3A_54 = arith.constant 0 : i32
      %dma_wait3A_55 = arith.constant 0 : i32
      %dma_wait3A_56 = tpu.memref_slice %arg3[%dma_wait3A_54, %dma_wait3A_55] : memref<8192x8192xf32, #tpu.memory_space<hbm>> -> memref<8192x8192xf32, #tpu.memory_space<hbm>>
      tpu.wait_indirect_dma semaphore(%arg9 : memref<!tpu.dma_semaphore, #tpu.memory_space<semaphore_mem>>) src(%dma_wait3A_56 : memref<8192x8192xf32, #tpu.memory_space<hbm>>) dst(%arg7 : memref<4x8192xf32, #tpu.memory_space<vmem>>)
      %mul3A_57 = arith.constant 4 : i32
      %mul3A_58 = arith.muli %add3A_50, %mul3A_57 : i32
      %add3A_59 = arith.addi %mul3A_2, %mul3A_58 : i32
      %dma_start3A_60 = arith.constant 0 : i32
      %dma_start3A_61 = tpu.memref_slice %arg4[%add3A_59, %dma_start3A_60] : memref<8192x8192xf32, #tpu.memory_space<hbm>> -> memref<4x8192xf32, #tpu.memory_space<hbm>>
      %dma_start3A_62 = arith.constant 0 : i32
      %dma_start3A_63 = tpu.memref_slice %arg4[%add3A_59, %dma_start3A_62] : memref<8192x8192xf32, #tpu.memory_space<hbm>> -> memref<4x8192xf32, #tpu.memory_space<hbm>>
      tpu.enqueue_dma source(%arg7 : memref<4x8192xf32, #tpu.memory_space<vmem>>) target(%dma_start3A_63 : memref<4x8192xf32, #tpu.memory_space<hbm>>) target_semaphore(%arg11 : memref<!tpu.dma_semaphore, #tpu.memory_space<semaphore_mem>>)
      %mul3A_64 = arith.constant 4 : i32
      %mul3A_65 = arith.muli %add3A_50, %mul3A_64 : i32
      %add3A_66 = arith.addi %mul3A_2, %mul3A_65 : i32
      %dma_wait3A_67 = arith.constant 0 : i32
      %dma_wait3A_68 = tpu.memref_slice %arg4[%add3A_66, %dma_wait3A_67] : memref<8192x8192xf32, #tpu.memory_space<hbm>> -> memref<4x8192xf32, #tpu.memory_space<hbm>>
      %dma_wait3A_69 = arith.constant 0 : i32
      %dma_wait3A_70 = tpu.memref_slice %arg4[%add3A_66, %dma_wait3A_69] : memref<8192x8192xf32, #tpu.memory_space<hbm>> -> memref<4x8192xf32, #tpu.memory_space<hbm>>
      tpu.wait_dma2 semaphore(%arg11 : memref<!tpu.dma_semaphore, #tpu.memory_space<semaphore_mem>>) src(%arg7 : memref<4x8192xf32, #tpu.memory_space<vmem>>) dst(%dma_wait3A_70 : memref<4x8192xf32, #tpu.memory_space<hbm>>)
      %add3A_71 = arith.constant 2 : i32
      %add3A_72 = arith.addi %add3A_50, %add3A_71 : i32
      %lt3A_73 = arith.constant 64 : i32
      %lt3A_74 = arith.cmpi slt, %add3A_72, %lt3A_73 : i32
      %convert_element_type3A_75 = arith.extui %lt3A_74 : i1 to i32
      %cond3A_76 = arith.constant 0 : i32
      %cond3A_77 = arith.cmpi ne, %convert_element_type3A_75, %cond3A_76 : i32
      scf.if %cond3A_77 {
        %dma_start3A_78 = arith.constant 0 : i32
        %dma_start3A_79 = tpu.memref_slice %arg5[%add3A_72, %dma_start3A_78] : memref<64x4xi32, #tpu.memory_space<vmem>> -> memref<1x4xi32, #tpu.memory_space<vmem>>
        %dma_start3A_80 = tpu.memref_squeeze %dma_start3A_79 : memref<1x4xi32, #tpu.memory_space<vmem>> -> memref<4xi32, #tpu.memory_space<vmem>>
        %dma_start3A_81 = arith.constant 0 : i32
        %dma_start3A_82 = arith.constant 0 : i32
        %dma_start3A_83 = tpu.memref_slice %arg3[%dma_start3A_81, %dma_start3A_82] : memref<8192x8192xf32, #tpu.memory_space<hbm>> -> memref<8192x8192xf32, #tpu.memory_space<hbm>>
        tpu.enqueue_indirect_dma source(%dma_start3A_83 : memref<8192x8192xf32, #tpu.memory_space<hbm>>) target(%arg7 : memref<4x8192xf32, #tpu.memory_space<vmem>>) offsets(%dma_start3A_80 : memref<4xi32, #tpu.memory_space<vmem>>) semaphore(%arg9 : memref<!tpu.dma_semaphore, #tpu.memory_space<semaphore_mem>>)
      } else {
      }
    }
    %scan3A_20 = arith.constant 32 : i32
    return
  }
}

</mosaic_0001>

<sc_bundles>
// kernel: kernel.3.cloned.1.call-start
scs
__scs_entry_jumppad:
0x0: {  	(pc) =	sbr.rel $0x88, $3  }
0x1: {  	(tag) =	ssettag $0x0;
	lr =	simm.s32 $0x1  }
0x2: {  	[smem:$0x3F9F] =	sst lr;
	_ =	strace $0xD0000000  }
0x3: {  	_ = 	snop  }
0x4: {  	_ = 	snop  }
0x5: {  	_ = 	snop  }
0x6: {  	_ = 	snop  }
0x7: {  	_ = 	snop  }
__scs_overlays_trampoline_lowered:
0x8: {  	[smem:$0x3FAE] =	sst s0  }
0x9: {  	[smem:$0x3FAF] =	sst s1  }
0xa: {  	[smem:$0x3FB0] =	sst s2  }
0xb: {  	[smem:$0x3FB1] =	sst s3  }
0xc: {  	[smem:$0x3FB2] =	sst s4  }
0xd: {  	[smem:$0x3FB3] =	sst s5  }
0xe: {  	[smem:$0x3FB4] =	sst s6  }
0xf: {  	[smem:$0x3FB5] =	sst s7  }
0x10: {  	[smem:$0x3FB6] =	sst s8  }
0x11: {  	[smem:$0x3FB7] =	sst s9;
	s0 =	simm.s32 @!p0 $0x0  }
0x12: {  	s1 =	sld [smem:$0x3F9D];
	s0 =	simm.s32 @p0 $0x1  }
0x13: {  	[smem:$0x3FB8] =	sst s0;
	s0 =	simm.s32 @!p1 $0x0  }
0x14: {  	s2 =	sld [smem:$0x3F9C];
	s0 =	simm.s32 @p1 $0x1  }
0x15: {  	[smem:$0x3FB9] =	sst s0;
	s0 =	simm.s32 @!p2 $0x0  }
0x16: {  	s3 =	sld [smem:$0x3FDB];
	s0 =	simm.s32 @p2 $0x1  }
0x17: {  	s4 =	simm.s32 $0x1BF5;
	[smem:$0x3FBB] =	sst s0  }
0x18: {  	s0 =	sld [smem:$0x3F9E];
	_ =	swait.ge [sflag:s4], $0x0  }
0x19: {  	s7 =	sld [smem:$0x3F9F]  }
0x1a: {  	s8 =	sadd.s32 $0xFFFFE003, lr  }
0x1b: {  	s9 =	sadd.s32 $0xFFFFFEF7, lr;
	s5 =	simm.s32 $0xFFFFFFFF;
	p2 =	slt.u32 s8, $0xFFFFF086  }
0x1c: {  	p1 =	slt.u32 s9, $0xF7A;
	s5 =	simm.s32 @!p2 $0x0  }
0x1d: {  	s5 =	simm.s32 @p1 $0x1;
	p0 =	seq.s32 s7, s2  }
0x1e: {  	s7 =	smul.u32 @!p0 $0xF7A, s2;
	p2 =	seq.s32 @!p0 s5, $0x0  }
0x1f: {  	s9 =	smul.u32 $0xF7A, s1;
	s8 =	simm.s32 @!p0 $0x1BF5;
	p2 =	por !p2, p0  }
0x20: {  	[sflag:s8] =	ssyncset.s32 @!p0 $0xFFFFF086;
	s6 =	sadd.s32 @!p0 s3, s7;
	s7 =	simm.s32 @!p0 $0x108  }
0x21: {  	s3 =	sadd.s32 s3, s9;
	s6 =	sadd.s32 @!p0 $0x88, s6;
	s7 =	simm.s32 @p2 $0x1082  }
0x22: {  	[simem:s7], [sflag:s8] =	dma.local @!p0 [hbm:s6], $0xF7A  }
0x23: {  	s9 =	sor.u32 $0xD0000000, s2;
	s6 =	simm.s32 $0x108;
	_ =	swait.ge @!p0 [sflag:s8], $0x0  }
0x24: {  	s3 =	sadd.s32 $0x88, s3;
	s6 =	simm.s32 @!p1 $0x1082;
	[sflag:s4] =	ssyncset.s32 $0xFFFFF086  }
0x25: {  	[simem:s6], [sflag:s4] =	dma.local [hbm:s3], $0xF7A  }
0x26: {  	[smem:$0x3F9F] =	sst s1;
	(tag) =	ssettag s2;
	_ =	strace s9  }
0x27: {  	s1 =	sld [smem:$0x3FAF]  }
0x28: {  	s2 =	sld [smem:$0x3FB0]  }
0x29: {  	s4 =	sld [smem:$0x3FB2]  }
0x2a: {  	p0 =	seq.s32 s5, $0x0;
	s5 =	sld [smem:$0x3FB3]  }
0x2b: {  	s6 =	sld [smem:$0x3FB4]  }
0x2c: {  	s7 =	sld [smem:$0x3FB5]  }
0x2d: {  	s3 =	simm.s32 $0x108;
	s8 =	sld [smem:$0x3FB6]  }
0x2e: {  	s3 =	simm.s32 @!p0 $0x1082;
	s9 =	sld [smem:$0x3FB7]  }
0x2f: {  	lr =	sadd.s32 s0, s3;
	s0 =	sld [smem:$0x3FAE]  }
0x30: {  	s3 =	sld [smem:$0x3FB1]  }
0x31: {  	[smem:$0x3FBA] =	sst s10  }
0x32: {  	s10 =	sld [smem:$0x3FB8];
	_ =	sdelay $0x3  }
0x33: {  	p0 =	seq.s32 s10, $0x1;
	s10 =	sld [smem:$0x3FBA];
	_ =	sdelay $0x3  }
0x34: {  	[smem:$0x3FBA] =	sst s10  }
0x35: {  	s10 =	sld [smem:$0x3FB9];
	_ =	sdelay $0x3  }
0x36: {  	p1 =	seq.s32 s10, $0x1;
	s10 =	sld [smem:$0x3FBA];
	_ =	sdelay $0x3  }
0x37: {  	[smem:$0x3FBA] =	sst s10  }
0x38: {  	s10 =	sld [smem:$0x3FBB]  }
0x39: {  	_ = 	snop;
	(pc) =	sbr.ind lr, $3  }
0x3a: {  	_ = 	snop  }
0x3b: {  	_ = 	snop  }
0x3c: {  	p2 =	seq.s32 s10, $0x1;
	s10 =	sld [smem:$0x3FBA]  }
0x3d: {  	_ =	shalt  }
0x3e: {  	_ =	shalt  }
0x3f: {  	_ =	shalt  }
0x40: {  	_ =	shalt  }
0x41: {  	_ =	shalt  }
0x42: {  	_ =	shalt  }
0x43: {  	_ =	shalt  }
0x44: {  	_ =	shalt  }
0x45: {  	_ =	shalt  }
0x46: {  	_ =	shalt  }
0x47: {  	_ =	shalt  }
0x48: {  	_ =	shalt  }
0x49: {  	_ =	shalt  }
0x4a: {  	_ =	shalt  }
0x4b: {  	_ =	shalt  }
0x4c: {  	_ =	shalt  }
0x4d: {  	_ =	shalt  }
0x4e: {  	_ =	shalt  }
0x4f: {  	_ =	shalt  }
0x50: {  	_ =	shalt  }
0x51: {  	_ =	shalt  }
0x52: {  	_ =	shalt  }
0x53: {  	_ =	shalt  }
0x54: {  	_ =	shalt  }
0x55: {  	_ =	shalt  }
0x56: {  	_ =	shalt  }
0x57: {  	_ =	shalt  }
0x58: {  	_ =	shalt  }
0x59: {  	_ =	shalt  }
0x5a: {  	_ =	shalt  }
0x5b: {  	_ =	shalt  }
0x5c: {  	_ =	shalt  }
0x5d: {  	_ =	shalt  }
0x5e: {  	_ =	shalt  }
0x5f: {  	_ =	shalt  }
0x60: {  	_ =	shalt  }
0x61: {  	_ =	shalt  }
0x62: {  	_ =	shalt  }
0x63: {  	_ =	shalt  }
0x64: {  	_ =	shalt  }
0x65: {  	_ =	shalt  }
0x66: {  	_ =	shalt  }
0x67: {  	_ =	shalt  }
0x68: {  	_ =	shalt  }
0x69: {  	_ =	shalt  }
0x6a: {  	_ =	shalt  }
0x6b: {  	_ =	shalt  }
0x6c: {  	_ =	shalt  }
0x6d: {  	_ =	shalt  }
0x6e: {  	_ =	shalt  }
0x6f: {  	_ =	shalt  }
0x70: {  	_ =	shalt  }
0x71: {  	_ =	shalt  }
0x72: {  	_ =	shalt  }
0x73: {  	_ =	shalt  }
0x74: {  	_ =	shalt  }
0x75: {  	_ =	shalt  }
0x76: {  	_ =	shalt  }
0x77: {  	_ =	shalt  }
0x78: {  	_ =	shalt  }
0x79: {  	_ =	shalt  }
0x7a: {  	_ =	shalt  }
0x7b: {  	_ =	shalt  }
0x7c: {  	_ =	shalt  }
0x7d: {  	_ =	shalt  }
0x7e: {  	_ =	shalt  }
0x7f: {  	_ =	shalt  }
0x80: {  	_ =	shalt  }
0x81: {  	_ =	shalt  }
0x82: {  	_ =	shalt  }
0x83: {  	_ =	shalt  }
0x84: {  	_ =	shalt  }
0x85: {  	_ =	shalt  }
0x86: {  	_ =	shalt  }
0x87: {  	_ =	shalt  }
.Lfunc_end0:
.L_simem_size_0:
called_computation_lowered:
.L_overlay_start_0:
0x88: {  	s2 =	sld [smem:$0x3FD9]  }
0x89: {  	s3 =	sld [smem:$0x3FFE];
	_ =	sdelay $0x1  }
0x8a: {  	s1 =	srdreg.scid  }
0x8b: {  	s0 =	sand.u32 $0x1, s1  }
0x8c: {  	s17 =	sshll.u32 s0, $0xA;
	s2 =	sadd.s32 s3, s2  }
0x8d: {  	s2 =	sadd.s32 s2, s17  }
0x8e: {  	[smem:$0x3FC6] =	sst s2  }
0x8f: {  	_ = 	snop  }
0x90: {  	s2 =	sld [smem:$0x3FC8]  }
0x91: {  	s18 =	sld [smem:$0x3FD0];
	(tm) =	ssettm $0x1  }
0x92: {  	s4 =	sld [smem:$0x3FFB];
	_ =	sdelay $0x3  }
0x93: {  	_ =	strace s4  }
0x94: {  	s4 =	sld [smem:$0x3FFC];
	_ =	sdelay $0x3  }
0x95: {  	_ =	strace s4  }
0x96: {  	s4 =	sld [smem:$0x3FFD];
	_ =	sdelay $0x3  }
0x97: {  	_ =	strace s4  }
0x98: {  	_ =	strace $0x8FFFFFFF  }
0x99: {  	s19 =	sld [smem:$0x3FDB];
	_ =	sdelay $0x1  }
0x9a: {  	s5 =	simm.s32 $_scs_section_size  }
0x9b: {  	s6 =	simm.s32 $_size__tile_overlayer_lowered;
	s7 =	simm.s32 $_tile_overlayer_lowered  }
0x9c: {  	s22 =	simm.s32 $0x1BFF;
	s21 =	sshll.u32 s7, $0x1;
	s4 =	sadd.s32 s5, s19  }
0x9d: {  	s8 =	simm.s32 $0x0;
	s20 =	sshll.u32 s6, $0x1;
	s6 =	sadd.s32 s21, s4  }
0x9e: {  	[timem:s8], [sflag:s22] =	dma.local [hbm:s6], s20  }
0x9f: {  	_ =	swait.ge [sflag:s22], s20  }
0xa0: {  	s5 =	ssub.s32 $0x0, s20;
	[sflag:s22] =	ssyncset.done $0x0  }
0xa1: {  	[sflag:s22] =	ssyncadd.s32 s5;
	_ =	sdelay $0x1  }
0xa2: {  	s23 =	simm.s32 $0x1B8B  }
0xa3: {  	_ =	swait.ge [sflag:s23], $0x1  }
0xa4: {  	[sflag:s23] =	ssyncset.done $0x0  }
0xa5: {  	s25 =	simm.s32 $0x1B8E;
	s24 =	sld [smem:$0x3FFE];
	[sflag:s23] =	ssyncadd.s32 $0xFFFFFFFF  }
0xa6: {  	s26 =	simm.s32 $execute0_lowered;
	[smem:$0x3FD2] =	sst s25  }
0xa7: {  	s6 =	sshll.u32 s26, $0x1;
	_ =	strace $0x80000046;
	[dreg:$0x1] =	wrdreg $0xFFFFFFFF  }
0xa8: {  	s28 =	simm.s32 $_size_execute0_lowered;
	s4 =	sadd.s32 s4, s6;
	[dreg:$0x0] =	wrdreg $0x0  }
0xa9: {  	s6 =	sshll.u32 s28, $0x1;
	[dreg:$0x2] =	wrdreg s4  }
0xaa: {  	[dreg:$0x3] =	wrdreg s6  }
0xab: {  	[dreg:$0x4] =	wrdreg $0xC0  }
0xac: {  	_ =	task [dreg:s8], $0x5FFFF  }
0xad: {  	[dreg:$0x1] =	wrdreg $0xFFFFFFFF  }
0xae: {  	[dreg:$0x0] =	wrdreg $0x60  }
0xaf: {  	[dreg:$0x2] =	wrdreg s24  }
0xb0: {  	[dreg:$0x3] =	wrdreg s2  }
0xb1: {  	[dreg:$0x4] =	wrdreg s18  }
0xb2: {  	[dreg:$0x5] =	wrdreg $0x9  }
0xb3: {  	_ =	task.clear_ibuf [dreg:s8], $0x6FFFF;
	_ =	strace $0x90000046  }
0xb4: {  	s29 =	simm.s32 $0x9;
	_ =	strace $0x80000048  }
0xb5: {  	_ =	swait.ge [sflag:s29], $0x1  }
0xb6: {  	[sflag:s29] =	ssyncadd.s32 $0xFFFFFFFF  }
0xb7: {  	_ =	strace $0x90000048  }
0xb8: {  	_ =	sfence  }
0xb9: {  	s30 =	sld [smem:$0x0];
	_ =	sdelay $0x2  }
0xba: {  	s31 =	sshll.u32 s1, $0xD;
	s1 =	sshrl.u32 s1, $0x2  }
0xbb: {  	s3 =	sand.u32 $0x4000, s31;
	s1 =	sadd.s32 s1, s30  }
0xbc: {  	s0 =	sor.u32 s3, s0;
	s1 =	sshll.u32 s1, $0x11  }
0xbd: {  	s0 =	sor.u32 s1, s0  }
0xbe: {  	s0 =	sadd.s32 $0x8F2B, s0  }
0xbf: {  	[sflag:s0] =	ssyncadd.remote.s32 $0x1  }
0xc0: {  	_ =	sfence.sel $0xFFFF  }
0xc1: {  	[dreg:$0x0] =	wrdreg $0xFFFFFFFF;
	(pc) =	sbr.abs _section_cstart, $3  }
0xc2: {  	[dreg:$0x1] =	wrdreg $0xFFFFFFFF  }
0xc3: {  	_ =	task.clear_ibuf [dreg:s8], $0x2FFFF;
	_ =	strace $0x9FFFFFFF  }
0xc4: {  	(tm) =	ssettm $0x7FFFFFFF  }
0xc5: {  	_ =	shalt  }
tec
execute0_lowered:
.L_overlay_start_1:
0x0: {  	(tag) =	ssettag $0x1  }
0x1: {  	s0 =	rddreg [dreg:$0x0]  }
0x2: {  	s2 =	rddreg [dreg:$0x1]  }
0x3: {  	s1 =	rddreg [dreg:$0x2]  }
0x4: {  	s3 =	srdreg.scid;
	s17 =	stileid.u32  }
0x5: {  	s31 =	simm.s32 $0xA000;
	s28 =	simm.s32 $0x3;
	s29 =	simm.s32 $0x2  }
0x6: {  	s30 =	simm.s32 $0x4;
	s4 =	sand.u32 $0x1, s3;
	s3 =	simm.s32 $0x0  }
0x7: {  	s5 =	sshll.u32 s17, $0xB;
	s7 =	sadd.s32 $0x600, s2;
	s8 =	sadd.s32 $0x800, s2  }
0x8: {  	s9 =	sadd.s32 $0xA00, s2;
	s10 =	sadd.s32 $0xC00, s2;
	s11 =	sadd.s32 $0xE00, s2  }
0x9: {  	s12 =	sadd.s32 $0x1000, s2;
	s13 =	sadd.s32 $0x1200, s2;
	s14 =	sadd.s32 $0x1400, s2  }
0xa: {  	s15 =	sadd.s32 $0x1600, s2;
	s16 =	sadd.s32 $0x1800, s2;
	s24 =	sshll.u32 s17, $0x13  }
0xb: {  	s17 =	sadd.s32 $0x1A00, s2;
	s18 =	sadd.s32 $0x1C00, s2;
	s19 =	sadd.s32 $0x1E00, s2  }
0xc: {  	s6 =	sshll.u32 s4, $0xA;
	[smem:$0x7FF] =	sst s3;
	s22 =	ssub.s32 $0x2, s4  }
0xd: {  	s25 =	sshll.u32 s4, $0x12;
	s5 =	sor.u32 s6, s5;
	_ =	strace $0x80000047  }
0xe: {  	s23 =	sshrl.u32 s22, $0x1;
	s6 =	sadd.s32 $0x400, s2;
	s0 =	sadd.s32 s5, s0  }
0xf: {  	s20 =	ssub.s32 s22, s23;
	s5 =	sadd.s32 $0x200, s2;
	s23 =	simm.s32 $0x10800  }
.Ltmp0:
0x10: {  	s0 =	sadd.s32 $0x400, s0;
	s26 =	smax.u32 s20, $0x1;
	(pc) =	sbr.rel .LBB2_1-.Ltmp0, $4  }
0x11: {  	s20 =	simm.s32 $0x0;
	[dreg:$0x4] =	wrdreg s0;
	s0 =	sadd.s32 s24, s1  }
0x12: {  	v0 =	vlaneseq.u32;
	[dreg:$0x5] =	wrdreg s26;
	s1 =	simm.s32 $0x11800;
	s0 =	sadd.s32 s25, s0  }
0x13: {  	v1 =	vshrl.u32 v0, $0x2;
	s24 =	simm.s32 $0x1;
	s26 =	simm.s32 $0x400;
	s0 =	sadd.s32 $0x40, s0  }
0x14: {  	vm0 =	vmmov $0xffff;
	v0 =	vand.u32 $0x3, v0;
	v1 =	vmul.u32 $0x8, v1;
	s25 =	simm.s32 $0x200;
	[dreg:$0x6] =	wrdreg s0;
	s0 =	simm.s32 $0x11000  }
.LBB2_4:
0x15: {  	s20 =	rddreg [dreg:$0x7]  }
0x16: {  	s4 =	rddreg [dreg:$0x5];
	s20 =	sadd.s32 $0x1, s20  }
0x17: {  	p0 =	sne.s32 s20, s4  }
.Ltmp1:
0x18: {  	_ = 	snop;
	(pc) =	sbr.rel @!p0 .LBB2_5-.Ltmp1, $1  }
0x19: {  	_ =	sdelay $0x3  }
.LBB2_1:
0x1a: {  	[dreg:$0x7] =	wrdreg s20  }
0x1b: {  	s4 =	rddreg [dreg:$0x4];
	s21 =	simm.s32 $0x5  }
0x1c: {  	[tilespmem:s3], [sflag:$0x5] =	stream.linear.gather [hbm4b:s4+s3], $0x2000, $0x38;
	[tilespmem:$0x12000] =	vst v63  }
0x1d: {  	_ =	swait.ge [sflag:s21], $0x2000  }
0x1e: {  	[sflag:s21] =	ssyncset.done $0x0  }
0x1f: {  	[sflag:s21] =	ssyncadd.s32 $0xFFFFE000  }
0x20: {  	v2 =	vld.msk [tilespmem:$0x0], $0xf;
	_ =	sdelay $0x4  }
0x21: {  	v3 =	vshll.u32 v2, $0x6  }
0x22: {  	v2 =	vand.u32 $0x7, v2;
	v3 =	vand.u32 $0xFFFFFE00, v3  }
0x23: {  	v2 =	vor.u32 v2, v3  }
0x24: {  	v2 =	vperm.xlane v2, v0;
	_ =	sdelay $0x1  }
0x25: {  	v2 =	vadd.s32 v1, v2;
	_ =	sdelay $0x3  }
0x26: {  	s22 =	simm.s32 $0x2000  }
0x27: {  	[tilespmem:s22], [sflag:$0x1] =	stream.indirect_vreg.gather [hbm4b:s2+s3], $0x80, v2, vm0, $0xb8;
	[tilespmem:$0x12000] =	vst v63  }
0x28: {  	s20 =	simm.s32 $0x2800  }
0x29: {  	[tilespmem:s20], [sflag:$0x1] =	stream.indirect_vreg.gather [hbm4b:s5+s3], $0x80, v2, vm0, $0xb8;
	[tilespmem:$0x12000] =	vst v63  }
0x2a: {  	s21 =	simm.s32 $0x3000  }
0x2b: {  	[tilespmem:s21], [sflag:$0x1] =	stream.indirect_vreg.gather [hbm4b:s6+s3], $0x80, v2, vm0, $0xb8;
	[tilespmem:$0x12000] =	vst v63  }
0x2c: {  	s22 =	simm.s32 $0x3800  }
0x2d: {  	[tilespmem:s22], [sflag:$0x1] =	stream.indirect_vreg.gather [hbm4b:s7+s3], $0x80, v2, vm0, $0xb8;
	[tilespmem:$0x12000] =	vst v63  }
0x2e: {  	s20 =	simm.s32 $0x4000  }
0x2f: {  	[tilespmem:s20], [sflag:$0x1] =	stream.indirect_vreg.gather [hbm4b:s8+s3], $0x80, v2, vm0, $0xb8;
	[tilespmem:$0x12000] =	vst v63  }
0x30: {  	s21 =	simm.s32 $0x4800  }
0x31: {  	[tilespmem:s21], [sflag:$0x1] =	stream.indirect_vreg.gather [hbm4b:s9+s3], $0x80, v2, vm0, $0xb8;
	[tilespmem:$0x12000] =	vst v63  }
0x32: {  	s22 =	simm.s32 $0x5000  }
0x33: {  	[tilespmem:s22], [sflag:$0x1] =	stream.indirect_vreg.gather [hbm4b:s10+s3], $0x80, v2, vm0, $0xb8;
	[tilespmem:$0x12000] =	vst v63  }
0x34: {  	s20 =	simm.s32 $0x5800  }
0x35: {  	[tilespmem:s20], [sflag:$0x1] =	stream.indirect_vreg.gather [hbm4b:s11+s3], $0x80, v2, vm0, $0xb8;
	[tilespmem:$0x12000] =	vst v63  }
0x36: {  	s21 =	simm.s32 $0x6000  }
0x37: {  	[tilespmem:s21], [sflag:$0x1] =	stream.indirect_vreg.gather [hbm4b:s12+s3], $0x80, v2, vm0, $0xb8;
	[tilespmem:$0x12000] =	vst v63  }
0x38: {  	s22 =	simm.s32 $0x6800  }
0x39: {  	[tilespmem:s22], [sflag:$0x1] =	stream.indirect_vreg.gather [hbm4b:s13+s3], $0x80, v2, vm0, $0xb8;
	[tilespmem:$0x12000] =	vst v63  }
0x3a: {  	s20 =	simm.s32 $0x7000  }
0x3b: {  	[tilespmem:s20], [sflag:$0x1] =	stream.indirect_vreg.gather [hbm4b:s14+s3], $0x80, v2, vm0, $0xb8;
	[tilespmem:$0x12000] =	vst v63  }
0x3c: {  	s21 =	simm.s32 $0x7800  }
0x3d: {  	[tilespmem:s21], [sflag:$0x1] =	stream.indirect_vreg.gather [hbm4b:s15+s3], $0x80, v2, vm0, $0xb8;
	[tilespmem:$0x12000] =	vst v63  }
0x3e: {  	s22 =	simm.s32 $0x8000  }
0x3f: {  	[tilespmem:s22], [sflag:$0x1] =	stream.indirect_vreg.gather [hbm4b:s16+s3], $0x80, v2, vm0, $0xb8;
	[tilespmem:$0x12000] =	vst v63  }
0x40: {  	s20 =	simm.s32 $0x8800  }
0x41: {  	[tilespmem:s20], [sflag:$0x1] =	stream.indirect_vreg.gather [hbm4b:s17+s3], $0x80, v2, vm0, $0xb8;
	[tilespmem:$0x12000] =	vst v63  }
0x42: {  	s21 =	simm.s32 $0x9000  }
0x43: {  	[tilespmem:s21], [sflag:$0x1] =	stream.indirect_vreg.gather [hbm4b:s18+s3], $0x80, v2, vm0, $0xb8;
	[tilespmem:$0x12000] =	vst v63  }
0x44: {  	s22 =	simm.s32 $0x9800  }
0x45: {  	[tilespmem:s22], [sflag:$0x1] =	stream.indirect_vreg.gather [hbm4b:s19+s3], $0x80, v2, vm0, $0xb8;
	[tilespmem:$0x12000] =	vst v63  }
0x46: {  	v2 =	vld.msk [tilespmem:$0x80], $0xf;
	_ =	sdelay $0x4  }
0x47: {  	v3 =	vshll.u32 v2, $0x6  }
0x48: {  	v2 =	vand.u32 $0x7, v2;
	v3 =	vand.u32 $0xFFFFFE00, v3  }
0x49: {  	v2 =	vor.u32 v2, v3  }
0x4a: {  	v2 =	vperm.xlane v2, v0;
	_ =	sdelay $0x1  }
0x4b: {  	v2 =	vadd.s32 v1, v2;
	_ =	sdelay $0x4  }
0x4c: {  	[tilespmem:s31], [sflag:$0x2] =	stream.indirect_vreg.gather [hbm4b:s2+s3], $0x80, v2, vm0, $0xb8;
	[tilespmem:$0x12000] =	vst v63  }
0x4d: {  	s20 =	simm.s32 $0xA800  }
0x4e: {  	[tilespmem:s20], [sflag:$0x2] =	stream.indirect_vreg.gather [hbm4b:s5+s3], $0x80, v2, vm0, $0xb8;
	[tilespmem:$0x12000] =	vst v63  }
0x4f: {  	s21 =	simm.s32 $0xB000  }
0x50: {  	[tilespmem:s21], [sflag:$0x2] =	stream.indirect_vreg.gather [hbm4b:s6+s3], $0x80, v2, vm0, $0xb8;
	[tilespmem:$0x12000] =	vst v63  }
0x51: {  	s22 =	simm.s32 $0xB800  }
0x52: {  	[tilespmem:s22], [sflag:$0x2] =	stream.indirect_vreg.gather [hbm4b:s7+s3], $0x80, v2, vm0, $0xb8;
	[tilespmem:$0x12000] =	vst v63  }
0x53: {  	s20 =	simm.s32 $0xC000  }
0x54: {  	[tilespmem:s20], [sflag:$0x2] =	stream.indirect_vreg.gather [hbm4b:s8+s3], $0x80, v2, vm0, $0xb8;
	[tilespmem:$0x12000] =	vst v63  }
0x55: {  	s21 =	simm.s32 $0xC800  }
0x56: {  	[tilespmem:s21], [sflag:$0x2] =	stream.indirect_vreg.gather [hbm4b:s9+s3], $0x80, v2, vm0, $0xb8;
	[tilespmem:$0x12000] =	vst v63  }
0x57: {  	s22 =	simm.s32 $0xD000  }
0x58: {  	[tilespmem:s22], [sflag:$0x2] =	stream.indirect_vreg.gather [hbm4b:s10+s3], $0x80, v2, vm0, $0xb8;
	[tilespmem:$0x12000] =	vst v63  }
0x59: {  	s20 =	simm.s32 $0xD800  }
0x5a: {  	[tilespmem:s20], [sflag:$0x2] =	stream.indirect_vreg.gather [hbm4b:s11+s3], $0x80, v2, vm0, $0xb8;
	[tilespmem:$0x12000] =	vst v63  }
0x5b: {  	s21 =	simm.s32 $0xE000  }
0x5c: {  	[tilespmem:s21], [sflag:$0x2] =	stream.indirect_vreg.gather [hbm4b:s12+s3], $0x80, v2, vm0, $0xb8;
	[tilespmem:$0x12000] =	vst v63  }
0x5d: {  	s22 =	simm.s32 $0xE800  }
0x5e: {  	[tilespmem:s22], [sflag:$0x2] =	stream.indirect_vreg.gather [hbm4b:s13+s3], $0x80, v2, vm0, $0xb8;
	[tilespmem:$0x12000] =	vst v63  }
0x5f: {  	s20 =	simm.s32 $0xF000  }
0x60: {  	[tilespmem:s20], [sflag:$0x2] =	stream.indirect_vreg.gather [hbm4b:s14+s3], $0x80, v2, vm0, $0xb8;
	[tilespmem:$0x12000] =	vst v63  }
0x61: {  	s21 =	simm.s32 $0xF800  }
0x62: {  	[tilespmem:s21], [sflag:$0x2] =	stream.indirect_vreg.gather [hbm4b:s15+s3], $0x80, v2, vm0, $0xb8;
	[tilespmem:$0x12000] =	vst v63  }
0x63: {  	s22 =	simm.s32 $0x10000  }
0x64: {  	[tilespmem:s22], [sflag:$0x2] =	stream.indirect_vreg.gather [hbm4b:s16+s3], $0x80, v2, vm0, $0xb8;
	[tilespmem:$0x12000] =	vst v63  }
0x65: {  	_ = 	snop  }
0x66: {  	[tilespmem:s23], [sflag:$0x2] =	stream.indirect_vreg.gather [hbm4b:s17+s3], $0x80, v2, vm0, $0xb8;
	[tilespmem:$0x12000] =	vst v63  }
0x67: {  	_ = 	snop  }
0x68: {  	[tilespmem:s0], [sflag:$0x2] =	stream.indirect_vreg.gather [hbm4b:s18+s3], $0x80, v2, vm0, $0xb8;
	[tilespmem:$0x12000] =	vst v63  }
0x69: {  	s4 =	rddreg [dreg:$0x6];
	s20 =	simm.s32 $0x0  }
0x6a: {  	[tilespmem:s1], [sflag:$0x2] =	stream.indirect_vreg.gather [hbm4b:s19+s3], $0x80, v2, vm0, $0xb8;
	[tilespmem:$0x12000] =	vst v63  }
.LBB2_2:
0x6b: {  	_ =	swait.ge [sflag:s24], $0x8000  }
0x6c: {  	[sflag:s24] =	ssyncset.done $0x0  }
0x6d: {  	s21 =	sadd.s32 $0xFFFFFFC0, s4;
	s22 =	simm.s32 $0x2000;
	[sflag:s24] =	ssyncadd.s32 $0xFFFF8000  }
0x6e: {  	[hbm4b:s21+s25] =	stream.strided.scatter [tilespmem:s22], [sflag:$0x3], $0x8000, s26, s25, $0x38;
	[tilespmem:$0x12000] =	vst v63  }
0x6f: {  	_ =	swait.ge [sflag:s28], $0x8000  }
0x70: {  	p0 =	seq.s32 s20, $0x7C00;
	[sflag:s28] =	ssyncset.done $0x0  }
0x71: {  	s21 =	sshra.s32 @!p0 s20, $0x2;
	[sflag:s28] =	ssyncadd.s32 $0xFFFF8000  }
0x72: {  	v2 =	vld.msk @!p0 [tilespmem:s21+$0x100], $0xf;
	_ =	sdelay $0x4  }
0x73: {  	v3 =	vshll.u32 @!p0 v2, $0x6  }
0x74: {  	v4 =	vlaneseq.u32 @!p0;
	v2 =	vand.u32 @!p0 $0x7, v2;
	v3 =	vand.u32 @!p0 $0xFFFFFE00, v3  }
0x75: {  	v2 =	vor.u32 @!p0 v2, v3;
	v3 =	vand.u32 @!p0 $0x3, v4;
	v4 =	vshrl.u32 @!p0 v4, $0x2  }
0x76: {  	v2 =	vperm.xlane @!p0 v2, v3;
	v3 =	vmul.u32 @!p0 $0x8, v4;
	_ =	sdelay $0x1  }
0x77: {  	v2 =	vadd.s32 @!p0 v3, v2;
	_ =	sdelay $0x3  }
0x78: {  	vm1 =	vmmov @!p0 $0xffff;
	s22 =	simm.s32 @!p0 $0x2000;
	s21 =	simm.s32 @!p0 $0x0  }
0x79: {  	[tilespmem:s22], [sflag:$0x1] =	stream.indirect_vreg.gather @!p0 [hbm4b:s2+s21], $0x80, v2, vm1, $0xb8;
	[tilespmem:$0x12000] =	vst v63  }
0x7a: {  	s22 =	simm.s32 @!p0 $0x2800  }
0x7b: {  	[tilespmem:s22], [sflag:$0x1] =	stream.indirect_vreg.gather @!p0 [hbm4b:s5+s21], $0x80, v2, vm1, $0xb8;
	[tilespmem:$0x12000] =	vst v63  }
0x7c: {  	s22 =	simm.s32 @!p0 $0x3000  }
0x7d: {  	[tilespmem:s22], [sflag:$0x1] =	stream.indirect_vreg.gather @!p0 [hbm4b:s6+s21], $0x80, v2, vm1, $0xb8;
	[tilespmem:$0x12000] =	vst v63  }
0x7e: {  	s22 =	simm.s32 @!p0 $0x3800  }
0x7f: {  	[tilespmem:s22], [sflag:$0x1] =	stream.indirect_vreg.gather @!p0 [hbm4b:s7+s21], $0x80, v2, vm1, $0xb8;
	[tilespmem:$0x12000] =	vst v63  }
0x80: {  	s22 =	simm.s32 @!p0 $0x4000  }
0x81: {  	[tilespmem:s22], [sflag:$0x1] =	stream.indirect_vreg.gather @!p0 [hbm4b:s8+s21], $0x80, v2, vm1, $0xb8;
	[tilespmem:$0x12000] =	vst v63  }
0x82: {  	s22 =	simm.s32 @!p0 $0x4800  }
0x83: {  	[tilespmem:s22], [sflag:$0x1] =	stream.indirect_vreg.gather @!p0 [hbm4b:s9+s21], $0x80, v2, vm1, $0xb8;
	[tilespmem:$0x12000] =	vst v63  }
0x84: {  	s22 =	simm.s32 @!p0 $0x5000  }
0x85: {  	[tilespmem:s22], [sflag:$0x1] =	stream.indirect_vreg.gather @!p0 [hbm4b:s10+s21], $0x80, v2, vm1, $0xb8;
	[tilespmem:$0x12000] =	vst v63  }
0x86: {  	s22 =	simm.s32 @!p0 $0x5800  }
0x87: {  	[tilespmem:s22], [sflag:$0x1] =	stream.indirect_vreg.gather @!p0 [hbm4b:s11+s21], $0x80, v2, vm1, $0xb8;
	[tilespmem:$0x12000] =	vst v63  }
0x88: {  	s22 =	simm.s32 @!p0 $0x6000  }
0x89: {  	[tilespmem:s22], [sflag:$0x1] =	stream.indirect_vreg.gather @!p0 [hbm4b:s12+s21], $0x80, v2, vm1, $0xb8;
	[tilespmem:$0x12000] =	vst v63  }
0x8a: {  	s22 =	simm.s32 @!p0 $0x6800  }
0x8b: {  	[tilespmem:s22], [sflag:$0x1] =	stream.indirect_vreg.gather @!p0 [hbm4b:s13+s21], $0x80, v2, vm1, $0xb8;
	[tilespmem:$0x12000] =	vst v63  }
0x8c: {  	s22 =	simm.s32 @!p0 $0x7000  }
0x8d: {  	[tilespmem:s22], [sflag:$0x1] =	stream.indirect_vreg.gather @!p0 [hbm4b:s14+s21], $0x80, v2, vm1, $0xb8;
	[tilespmem:$0x12000] =	vst v63  }
0x8e: {  	s22 =	simm.s32 @!p0 $0x7800  }
0x8f: {  	[tilespmem:s22], [sflag:$0x1] =	stream.indirect_vreg.gather @!p0 [hbm4b:s15+s21], $0x80, v2, vm1, $0xb8;
	[tilespmem:$0x12000] =	vst v63  }
0x90: {  	s22 =	simm.s32 @!p0 $0x8000  }
0x91: {  	[tilespmem:s22], [sflag:$0x1] =	stream.indirect_vreg.gather @!p0 [hbm4b:s16+s21], $0x80, v2, vm1, $0xb8;
	[tilespmem:$0x12000] =	vst v63  }
0x92: {  	s22 =	simm.s32 @!p0 $0x8800  }
0x93: {  	[tilespmem:s22], [sflag:$0x1] =	stream.indirect_vreg.gather @!p0 [hbm4b:s17+s21], $0x80, v2, vm1, $0xb8;
	[tilespmem:$0x12000] =	vst v63  }
0x94: {  	s22 =	simm.s32 @!p0 $0x9000  }
0x95: {  	[tilespmem:s22], [sflag:$0x1] =	stream.indirect_vreg.gather @!p0 [hbm4b:s18+s21], $0x80, v2, vm1, $0xb8;
	[tilespmem:$0x12000] =	vst v63  }
0x96: {  	s22 =	simm.s32 @!p0 $0x9800  }
0x97: {  	[tilespmem:s22], [sflag:$0x1] =	stream.indirect_vreg.gather @!p0 [hbm4b:s19+s21], $0x80, v2, vm1, $0xb8;
	[tilespmem:$0x12000] =	vst v63  }
0x98: {  	_ =	swait.ge [sflag:s29], $0x8000  }
0x99: {  	[sflag:s29] =	ssyncset.done $0x0  }
.Ltmp2:
0x9a: {  	[sflag:s29] =	ssyncadd.s32 $0xFFFF8000;
	(pc) =	sbr.rel @p0 .LBB2_4-.Ltmp2, $4  }
0x9b: {  	[hbm4b:s4+s25] =	stream.strided.scatter [tilespmem:s31], [sflag:$0x4], $0x8000, s26, s25, $0x38;
	[tilespmem:$0x12000] =	vst v63  }
0x9c: {  	_ =	swait.ge [sflag:s30], $0x8000  }
0x9d: {  	[sflag:s30] =	ssyncset.done $0x0  }
0x9e: {  	[sflag:s30] =	ssyncadd.s32 $0xFFFF8000  }
0x9f: {  	s21 =	sshra.s32 s20, $0x2  }
0xa0: {  	v2 =	vld.msk [tilespmem:s21+$0x180], $0xf;
	_ =	sdelay $0x4  }
0xa1: {  	v3 =	vshll.u32 v2, $0x6  }
0xa2: {  	v2 =	vand.u32 $0x7, v2;
	v3 =	vand.u32 $0xFFFFFE00, v3  }
0xa3: {  	v2 =	vor.u32 v2, v3  }
0xa4: {  	v2 =	vperm.xlane v2, v0;
	_ =	sdelay $0x1  }
0xa5: {  	v2 =	vadd.s32 v1, v2;
	_ =	sdelay $0x4  }
0xa6: {  	[tilespmem:s31], [sflag:$0x2] =	stream.indirect_vreg.gather [hbm4b:s2+s3], $0x80, v2, vm0, $0xb8;
	[tilespmem:$0x12000] =	vst v63  }
0xa7: {  	s22 =	simm.s32 $0xA800  }
0xa8: {  	[tilespmem:s22], [sflag:$0x2] =	stream.indirect_vreg.gather [hbm4b:s5+s3], $0x80, v2, vm0, $0xb8;
	[tilespmem:$0x12000] =	vst v63  }
0xa9: {  	s22 =	simm.s32 $0xB000  }
0xaa: {  	[tilespmem:s22], [sflag:$0x2] =	stream.indirect_vreg.gather [hbm4b:s6+s3], $0x80, v2, vm0, $0xb8;
	[tilespmem:$0x12000] =	vst v63  }
0xab: {  	s22 =	simm.s32 $0xB800  }
0xac: {  	[tilespmem:s22], [sflag:$0x2] =	stream.indirect_vreg.gather [hbm4b:s7+s3], $0x80, v2, vm0, $0xb8;
	[tilespmem:$0x12000] =	vst v63  }
0xad: {  	s22 =	simm.s32 $0xC000  }
0xae: {  	[tilespmem:s22], [sflag:$0x2] =	stream.indirect_vreg.gather [hbm4b:s8+s3], $0x80, v2, vm0, $0xb8;
	[tilespmem:$0x12000] =	vst v63  }
0xaf: {  	s22 =	simm.s32 $0xC800  }
0xb0: {  	[tilespmem:s22], [sflag:$0x2] =	stream.indirect_vreg.gather [hbm4b:s9+s3], $0x80, v2, vm0, $0xb8;
	[tilespmem:$0x12000] =	vst v63  }
0xb1: {  	s22 =	simm.s32 $0xD000  }
0xb2: {  	[tilespmem:s22], [sflag:$0x2] =	stream.indirect_vreg.gather [hbm4b:s10+s3], $0x80, v2, vm0, $0xb8;
	[tilespmem:$0x12000] =	vst v63  }
0xb3: {  	s22 =	simm.s32 $0xD800  }
0xb4: {  	[tilespmem:s22], [sflag:$0x2] =	stream.indirect_vreg.gather [hbm4b:s11+s3], $0x80, v2, vm0, $0xb8;
	[tilespmem:$0x12000] =	vst v63  }
0xb5: {  	s22 =	simm.s32 $0xE000  }
0xb6: {  	[tilespmem:s22], [sflag:$0x2] =	stream.indirect_vreg.gather [hbm4b:s12+s3], $0x80, v2, vm0, $0xb8;
	[tilespmem:$0x12000] =	vst v63  }
0xb7: {  	s22 =	simm.s32 $0xE800  }
0xb8: {  	[tilespmem:s22], [sflag:$0x2] =	stream.indirect_vreg.gather [hbm4b:s13+s3], $0x80, v2, vm0, $0xb8;
	[tilespmem:$0x12000] =	vst v63  }
0xb9: {  	s22 =	simm.s32 $0xF000  }
0xba: {  	[tilespmem:s22], [sflag:$0x2] =	stream.indirect_vreg.gather [hbm4b:s14+s3], $0x80, v2, vm0, $0xb8;
	[tilespmem:$0x12000] =	vst v63  }
0xbb: {  	s22 =	simm.s32 $0xF800  }
0xbc: {  	[tilespmem:s22], [sflag:$0x2] =	stream.indirect_vreg.gather [hbm4b:s15+s3], $0x80, v2, vm0, $0xb8;
	[tilespmem:$0x12000] =	vst v63  }
0xbd: {  	s22 =	simm.s32 $0x10000  }
0xbe: {  	[tilespmem:s22], [sflag:$0x2] =	stream.indirect_vreg.gather [hbm4b:s16+s3], $0x80, v2, vm0, $0xb8;
	[tilespmem:$0x12000] =	vst v63  }
0xbf: {  	_ = 	snop  }
0xc0: {  	[tilespmem:s23], [sflag:$0x2] =	stream.indirect_vreg.gather [hbm4b:s17+s3], $0x80, v2, vm0, $0xb8;
	[tilespmem:$0x12000] =	vst v63  }
.Ltmp3:
0xc1: {  	_ = 	snop;
	(pc) =	sbr.rel .LBB2_2-.Ltmp3, $4  }
0xc2: {  	_ = 	snop  }
0xc3: {  	[tilespmem:s0], [sflag:$0x2] =	stream.indirect_vreg.gather [hbm4b:s18+s3], $0x80, v2, vm0, $0xb8;
	[tilespmem:$0x12000] =	vst v63  }
0xc4: {  	s20 =	sadd.s32 $0x400, s20;
	s4 =	sadd.s32 $0x2000, s4  }
0xc5: {  	[tilespmem:s1], [sflag:$0x2] =	stream.indirect_vreg.gather [hbm4b:s19+s3], $0x80, v2, vm0, $0xb8;
	[tilespmem:$0x12000] =	vst v63  }
.LBB2_5:
0xc6: {  	_ =	sfence.sel $0x180000  }
0xc7: {  	[bflag:$0x0] =	sbarrier.arrive $0xFFFF  }
0xc8: {  	_ =	strace $0x90000047  }
0xc9: {  	s0 =	stileid.u32;
	[bflag:$0x2] =	sbarrier.arrive $0xFFFF  }
0xca: {  	p0 =	sne.s32 s0, $0x0;
	s0 =	rddreg [dreg:$0x3]  }
0xcb: {  	s0 =	sadd.s32 @!p0 $0x100000, s0  }
0xcc: {  	[sflag:s0] =	ssyncadd.tile.s32 @!p0 $0x1;
	_ =	shalt  }
.Lfunc_end2:
_tile_overlayer_lowered:
.L_overlay_start_2:
0xcd: {  	(tag) =	ssettag $0x2  }
0xce: {  	s0 =	rddreg [dreg:$0x0];
	s2 =	stileid.u32  }
0xcf: {  	s1 =	rddreg [dreg:$0x1];
	p0 =	sne.s32 s2, $0x0  }
0xd0: {  	s3 =	rddreg [dreg:$0x2];
	[bflag:$0x3] =	sbarrier.arrive $0xFFFF;
	s2 =	simm.s32 @!p0 $0x1C05  }
0xd1: {  	[timem:s3], [sflag:s2] =	dma.local @!p0 [hbm:s0], s1  }
0xd2: {  	s0 =	simm.s32 @!p0 $0x5  }
0xd3: {  	_ =	swait.ge @!p0 [sflag:s0], s1  }
0xd4: {  	s1 =	ssub.s32 @!p0 $0x0, s1;
	[sflag:s0] =	ssyncset.done @!p0 $0x0  }
0xd5: {  	[sflag:s0] =	ssyncadd.s32 @!p0 s1  }
0xd6: {  	[bflag:$0x3] =	sbarrier.arrive $0xFFFF  }
0xd7: {  	_ =	shalt  }

</sc_bundles>
